<compile_context>
chip_gen: v7x
topology: tpu7x:2x2x1
jax: 0.10.2.dev20260603
libtpu: 0.0.44.dev20260713+nightly
codegen_flags: <defaults>
</compile_context>

<pallas_src>
import functools

import jax
import jax.numpy as jnp
from jax import lax
from jax.experimental import pallas as pl
from jax.experimental.pallas import tpu as pltpu
from jax.experimental.pallas import tpu_sc as plsc

_NC, _NS = 2, 16
_LANES = 16
_TC_ROWS = 16384


def _argmax_body(x_ref, preds_ref):
    x = x_ref[...]
    R, C = x.shape
    m = jnp.max(x, axis=1, keepdims=True)
    eqb = (x == m).astype(jnp.bfloat16)
    wexp = (191 - lax.broadcasted_iota(jnp.int32, (C, 1), 0)) << 23
    w = lax.bitcast_convert_type(wexp, jnp.float32).astype(jnp.bfloat16)
    srow = lax.dot_general(w, eqb, (((0,), (1,)), ((), ())),
                           preferred_element_type=jnp.float32)
    e = (lax.bitcast_convert_type(srow, jnp.int32) >> 23) - 127
    preds_ref[0] = (64 - e).astype(jnp.int32)


def _argmax(x2, t):
    nblk = x2.shape[0] // _TC_ROWS
    c = x2.shape[1]
    return pl.pallas_call(
        _argmax_body,
        grid=(nblk,),
        in_specs=[pl.BlockSpec((_TC_ROWS, c), lambda i: (i, 0))],
        out_specs=[pl.BlockSpec((1, 1, _TC_ROWS), lambda i: (i, 0, 0))],
        out_shape=[jax.ShapeDtypeStruct((nblk, 1, _TC_ROWS), jnp.int32)],
    )(x2)[0]


def _make_sc_decode(b, t, blank):
    mesh = plsc.VectorSubcoreMesh(core_axis_name="c", subcore_axis_name="s",
                                  num_cores=1)
    nit = t // _LANES

    @functools.partial(
        pl.kernel, mesh=mesh,
        compiler_params=pltpu.CompilerParams(needs_layout_passes=False),
        out_type=jax.ShapeDtypeStruct((b, t), jnp.int32),
        scratch_types=[
            pltpu.VMEM((t + 2 * _LANES,), jnp.int32),
            pltpu.VMEM((t,), jnp.int32),
            pltpu.SemaphoreType.DMA,
        ],
    )
    def decode(preds_hbm, out_hbm, prow, orow, sem):
        cid = lax.axis_index("c")
        sid = lax.axis_index("s")
        wid = sid + cid

        @pl.when(wid < b)
        def _():
            neg = jnp.full((_LANES,), -1, jnp.int32)
            prow[pl.ds(0, _LANES)] = neg
            rpb = _TC_ROWS // t
            cp = pltpu.async_copy(
                preds_hbm.at[wid // rpb, 0, pl.ds((wid % rpb) * t, t)],
                prow.at[pl.ds(8, t)], sem)

            def fill(i, acc):
                orow[pl.ds(i * _LANES, _LANES)] = neg
                return acc

            lax.fori_loop(0, nit, fill, jnp.int32(0))
            cp.wait()

            def body(i, base):
                cur = prow[pl.ds(8 + i * _LANES, _LANES)]
                prev = prow[pl.ds(7 + i * _LANES, _LANES)]
                km = ((cur != prev) & (cur != blank)).astype(jnp.int32)
                csum = jnp.cumsum(km)
                pos = csum + (base - 1)
                plsc.store_scatter(orow, [pos], cur, mask=km == 1)
                return base + csum[_LANES - 1]

            lax.fori_loop(0, nit, body, jnp.int32(0))
            pltpu.sync_copy(orow, out_hbm.at[wid])

    return decode


def kernel(y_pred):
    b, t, c = y_pred.shape
    x2 = y_pred.reshape(b * t, c)
    preds3 = _argmax(x2, t)
    out = _make_sc_decode(b, t, c - 1)(preds3)
    return out.astype(jnp.int64)

# --- scband reference (transcript-rebuilt; emitter-appended) ---
"""Pipeline reference for scband-ctcdecoding-layer-68736656605680 (READ-ONLY COPY).

The authoritative reference and input builder live on the scoring server;
editing this copy changes nothing except your own understanding.
"""

import jax, jax.numpy as jnp
import numpy as np


def setup_inputs(seed: int = 0) -> dict:
    key = jax.random.key(seed)
    y_pred = jax.random.normal(key, (16, 4096, 128), dtype=jnp.float32)
    return {"y_pred": y_pred}


def reference(y_pred):
    # Faithful JAX port of tf.keras.backend.ctc_decode(..., greedy=True)[0][0]:
    # greedy CTC decode with blank = num_classes - 1, merge_repeated=True,
    # input_length = full time dimension for every batch row, dense output padded with -1.
    B, T, C = y_pred.shape
    blank = C - 1
    # keras applies log(y_pred + eps) before ctc_greedy_decoder; log is monotone so
    # the per-step argmax is identical.
    preds = jnp.argmax(y_pred, axis=-1)  # [B, T] int
    # merge repeats: keep a frame only if it differs from the previous frame
    prev = jnp.concatenate([jnp.full((B, 1), -1, dtype=preds.dtype), preds[:, :-1]], axis=1)
    keep = (preds != prev) & (preds != blank)  # [B, T] bool
    # compacted output positions per row via prefix sum over the ragged keep mask
    pos = jnp.cumsum(keep.astype(jnp.int32), axis=1) - 1  # [B, T]
    scatter_idx = jnp.where(keep, pos, T)  # T is out-of-bounds -> dropped
    brow = jnp.broadcast_to(jnp.arange(B)[:, None], (B, T))
    vals = jnp.where(keep, preds, -1).astype(jnp.int64)
    out = jnp.full((B, T), -1, dtype=jnp.int64)
    out = out.at[brow, scatter_idx].set(vals, mode="drop")
    return out

if __name__ == "__main__":
    import jax
    _d = setup_inputs()
    print(jax.jit(kernel)(*tuple(_d.values())))

</pallas_src>

<mosaic_0001>
#map = affine_map<(d0, d1) -> (0, 0, 0)>
#map1 = affine_map<(d0, d1) -> (0, 0)>
module attributes {stable_mosaic.version = 14 : i64} {
  func.func @decode(%arg0: i32, %arg1: i32, %arg2: memref<4x1x16384xi32, #tpu.memory_space<hbm>>, %arg3: memref<16x4096xi32, #tpu.memory_space<hbm>>, %arg4: memref<4128xi32, #tpu.memory_space<vmem>>, %arg5: memref<4096xi32, #tpu.memory_space<vmem>>, %arg6: memref<!tpu.dma_semaphore, #tpu.memory_space<semaphore_mem>>) attributes {dimension_semantics = [#tpu.dimension_semantics<core_parallel>, #tpu.dimension_semantics<subcore_parallel>], iteration_bounds = array<i64: 1, 16>, scalar_prefetch = 0 : i64, scratch_operands = 3 : i64, tpu.core_type = #tpu.core_type<sc_vector_subcore>, window_params = [{transform_indices = #map}, {transform_indices = #map1}]} {
    %add3A = arith.addi %arg1, %arg0 : i32
    %lt3A = arith.constant 16 : i32
    %lt3A_0 = arith.cmpi slt, %add3A, %lt3A : i32
    %convert_element_type3A = arith.extui %lt3A_0 : i1 to i32
    %cond3A = arith.constant 0 : i32
    %cond3A_1 = arith.cmpi ne, %convert_element_type3A, %cond3A : i32
    scf.if %cond3A_1 {
      %broadcast_in_dim3A = arith.constant -1 : i32
      %broadcast_in_dim3A_2 = vector.broadcast %broadcast_in_dim3A : i32 to vector<16xi32>
      %swap3A = arith.constant 0 : index
      %swap3A_3 = tpu.vector_load %arg4[%swap3A] {strides = array<i32>} : memref<4128xi32, #tpu.memory_space<vmem>>, vector<16xi32>,
      tpu.vector_store %arg4[%swap3A], %broadcast_in_dim3A_2 {strides = array<i32>} : memref<4128xi32, #tpu.memory_space<vmem>>, vector<16xi32>,
      %jit3A = arith.constant 4 : i32
      %div3A = arith.divsi %add3A, %jit3A : i32
      %sign3A = arith.constant 0 : i32
      %sign3A_4 = arith.cmpi sgt, %add3A, %sign3A : i32
      %sign3A_5 = arith.extui %sign3A_4 : i1 to i32
      %sign3A_6 = arith.constant 0 : i32
      %sign3A_7 = arith.cmpi slt, %add3A, %sign3A_6 : i32
      %sign3A_8 = arith.extui %sign3A_7 : i1 to i32
      %sign3A_9 = arith.subi %sign3A_5, %sign3A_8 : i32
      %sign3A_10 = arith.constant 0 : i32
      %sign3A_11 = arith.cmpi sgt, %jit3A, %sign3A_10 : i32
      %sign3A_12 = arith.extui %sign3A_11 : i1 to i32
      %sign3A_13 = arith.constant 0 : i32
      %sign3A_14 = arith.cmpi slt, %jit3A, %sign3A_13 : i32
      %sign3A_15 = arith.extui %sign3A_14 : i1 to i32
      %sign3A_16 = arith.subi %sign3A_12, %sign3A_15 : i32
      %ne3A = arith.cmpi ne, %sign3A_9, %sign3A_16 : i32
      %rem3A = arith.remsi %add3A, %jit3A : i32
      %ne3A_17 = arith.constant 0 : i32
      %ne3A_18 = arith.cmpi ne, %rem3A, %ne3A_17 : i32
      %and3A = arith.andi %ne3A, %ne3A_18 : i1
      %sub3A = arith.constant 1 : i32
      %sub3A_19 = arith.subi %div3A, %sub3A : i32
      %select_n3A = arith.select %and3A, %sub3A_19, %div3A : i32
      %jit3A_20 = arith.constant 4 : i32
      %eq3A = arith.constant 0 : i32
      %eq3A_21 = arith.cmpi eq, %jit3A_20, %eq3A : i32
      %jit3A_22 = arith.constant 1 : i32
      %select_n3A_23 = arith.select %eq3A_21, %jit3A_22, %jit3A_20 : i32
      %rem3A_24 = arith.remsi %add3A, %select_n3A_23 : i32
      %ne3A_25 = arith.constant 0 : i32
      %ne3A_26 = arith.cmpi ne, %rem3A_24, %ne3A_25 : i32
      %lt3A_27 = arith.constant 0 : i32
      %lt3A_28 = arith.cmpi slt, %rem3A_24, %lt3A_27 : i32
      %lt3A_29 = arith.constant 0 : i32
      %lt3A_30 = arith.cmpi slt, %select_n3A_23, %lt3A_29 : i32
      %ne3A_31 = arith.xori %lt3A_28, %lt3A_30 : i1
      %and3A_32 = arith.andi %ne3A_31, %ne3A_26 : i1
      %add3A_33 = arith.addi %rem3A_24, %select_n3A_23 : i32
      %select_n3A_34 = arith.select %and3A_32, %add3A_33, %rem3A_24 : i32
      %mul3A = arith.constant 4096 : i32
      %mul3A_35 = arith.muli %select_n3A_34, %mul3A : i32
      %dma_start3A = arith.constant 0 : i32
      %dma_start3A_36 = arith.constant 8 : i32
      %dma_start3A_37 = tpu.memref_slice %arg4[%dma_start3A_36] : memref<4128xi32, #tpu.memory_space<vmem>> -> memref<4096xi32, #tpu.memory_space<vmem>>
      %dma_start3A_38 = tpu.memref_slice %arg2[%select_n3A, %dma_start3A, %mul3A_35] : memref<4x1x16384xi32, #tpu.memory_space<hbm>> -> memref<1x1x4096xi32, #tpu.memory_space<hbm>>
      %dma_start3A_39 = tpu.memref_squeeze %dma_start3A_38 : memref<1x1x4096xi32, #tpu.memory_space<hbm>> -> memref<4096xi32, #tpu.memory_space<hbm>>
      %dma_start3A_40 = arith.constant 8 : i32
      %dma_start3A_41 = tpu.memref_slice %arg4[%dma_start3A_40] : memref<4128xi32, #tpu.memory_space<vmem>> -> memref<4096xi32, #tpu.memory_space<vmem>>
      %dma_start3A_42 = tpu.memref_slice %arg2[%select_n3A, %dma_start3A, %mul3A_35] : memref<4x1x16384xi32, #tpu.memory_space<hbm>> -> memref<1x1x4096xi32, #tpu.memory_space<hbm>>
      %dma_start3A_43 = tpu.memref_squeeze %dma_start3A_42 : memref<1x1x4096xi32, #tpu.memory_space<hbm>> -> memref<4096xi32, #tpu.memory_space<hbm>>
      tpu.enqueue_dma source(%dma_start3A_43 : memref<4096xi32, #tpu.memory_space<hbm>>) target(%dma_start3A_41 : memref<4096xi32, #tpu.memory_space<vmem>>) target_semaphore(%arg6 : memref<!tpu.dma_semaphore, #tpu.memory_space<semaphore_mem>>)
      %scan3A = arith.constant 0 : i32
      %scan3A_44 = arith.constant 0 : i32
      %scan3A_45 = arith.constant 256 : i32
      %scan3A_46 = arith.addi %scan3A_44, %scan3A_45 : i32
      %scan3A_47 = arith.constant 1 : i32
      scf.for %scan3A_64 = %scan3A_44 to %scan3A_46 step %scan3A_47  : i32 {
        %mul3A_65 = arith.constant 16 : i32
        %mul3A_66 = arith.muli %scan3A_64, %mul3A_65 : i32
        %swap3A_67 = arith.index_cast %mul3A_66 : i32 to index
        %swap3A_68 = tpu.vector_load %arg5[%swap3A_67] {strides = array<i32>} : memref<4096xi32, #tpu.memory_space<vmem>>, vector<16xi32>,
        tpu.vector_store %arg5[%swap3A_67], %broadcast_in_dim3A_2 {strides = array<i32>} : memref<4096xi32, #tpu.memory_space<vmem>>, vector<16xi32>,
      }
      %scan3A_48 = arith.constant 256 : i32
      %dma_wait3A = arith.constant 0 : i32
      %dma_wait3A_49 = arith.constant 8 : i32
      %dma_wait3A_50 = tpu.memref_slice %arg4[%dma_wait3A_49] : memref<4128xi32, #tpu.memory_space<vmem>> -> memref<4096xi32, #tpu.memory_space<vmem>>
      %dma_wait3A_51 = tpu.memref_slice %arg2[%select_n3A, %dma_wait3A, %mul3A_35] : memref<4x1x16384xi32, #tpu.memory_space<hbm>> -> memref<1x1x4096xi32, #tpu.memory_space<hbm>>
      %dma_wait3A_52 = tpu.memref_squeeze %dma_wait3A_51 : memref<1x1x4096xi32, #tpu.memory_space<hbm>> -> memref<4096xi32, #tpu.memory_space<hbm>>
      %dma_wait3A_53 = arith.constant 8 : i32
      %dma_wait3A_54 = tpu.memref_slice %arg4[%dma_wait3A_53] : memref<4128xi32, #tpu.memory_space<vmem>> -> memref<4096xi32, #tpu.memory_space<vmem>>
      %dma_wait3A_55 = tpu.memref_slice %arg2[%select_n3A, %dma_wait3A, %mul3A_35] : memref<4x1x16384xi32, #tpu.memory_space<hbm>> -> memref<1x1x4096xi32, #tpu.memory_space<hbm>>
      %dma_wait3A_56 = tpu.memref_squeeze %dma_wait3A_55 : memref<1x1x4096xi32, #tpu.memory_space<hbm>> -> memref<4096xi32, #tpu.memory_space<hbm>>
      tpu.wait_dma2 semaphore(%arg6 : memref<!tpu.dma_semaphore, #tpu.memory_space<semaphore_mem>>) src(%dma_wait3A_56 : memref<4096xi32, #tpu.memory_space<hbm>>) dst(%dma_wait3A_54 : memref<4096xi32, #tpu.memory_space<vmem>>)
      %scan3A_57 = arith.constant 0 : i32
      %scan3A_58 = arith.constant 0 : i32
      %scan3A_59 = arith.constant 256 : i32
      %scan3A_60 = arith.addi %scan3A_58, %scan3A_59 : i32
      %scan3A_61 = arith.constant 1 : i32
      %scan3A_62 = scf.for %scan3A_64 = %scan3A_58 to %scan3A_60 step %scan3A_61 iter_args(%scan3A_65 = %scan3A_57) -> (i32)  : i32 {
        %mul3A_66 = arith.constant 16 : i32
        %mul3A_67 = arith.muli %scan3A_64, %mul3A_66 : i32
        %add3A_68 = arith.constant 8 : i32
        %add3A_69 = arith.addi %add3A_68, %mul3A_67 : i32
        %get3A = arith.index_cast %add3A_69 : i32 to index
        %get3A_70 = tpu.vector_load %arg4[%get3A] {strides = array<i32>} : memref<4128xi32, #tpu.memory_space<vmem>>, vector<16xi32>,
        %mul3A_71 = arith.constant 16 : i32
        %mul3A_72 = arith.muli %scan3A_64, %mul3A_71 : i32
        %add3A_73 = arith.constant 7 : i32
        %add3A_74 = arith.addi %add3A_73, %mul3A_72 : i32
        %get3A_75 = arith.index_cast %add3A_74 : i32 to index
        %get3A_76 = tpu.vector_load %arg4[%get3A_75] {strides = array<i32>} : memref<4128xi32, #tpu.memory_space<vmem>>, vector<16xi32>,
        %ne3A_77 = arith.cmpi ne, %get3A_70, %get3A_76 : vector<16xi32>
        %ne3A_78 = arith.constant 127 : i32
        %ne3A_79 = vector.broadcast %ne3A_78 : i32 to vector<16xi32>
        %ne3A_80 = arith.cmpi ne, %get3A_70, %ne3A_79 : vector<16xi32>
        %and3A_81 = arith.andi %ne3A_77, %ne3A_80 : vector<16xi1>
        %convert_element_type3A_82 = arith.extui %and3A_81 : vector<16xi1> to vector<16xi32>
        %cumsum3A = arith.constant true
        %cumsum3A_83 = vector.broadcast %cumsum3A : i1 to vector<16xi1>
        %cumsum3A_84 = tpu.scan <sum>, %convert_element_type3A_82 masked %cumsum3A_83 : vector<16xi32>, vector<16xi1> -> vector<16xi32>
        %sub3A_85 = arith.constant 1 : i32
        %sub3A_86 = arith.subi %scan3A_65, %sub3A_85 : i32
        %add3A_87 = vector.broadcast %sub3A_86 : i32 to vector<16xi32>
        %add3A_88 = arith.addi %cumsum3A_84, %add3A_87 : vector<16xi32>
        %eq3A_89 = arith.constant 1 : i32
        %eq3A_90 = vector.broadcast %eq3A_89 : i32 to vector<16xi32>
        %eq3A_91 = arith.cmpi eq, %convert_element_type3A_82, %eq3A_90 : vector<16xi32>
        tpu.vector_store_idx %arg5[%add3A_88], %get3A_70 masked %eq3A_91 : memref<4096xi32, #tpu.memory_space<vmem>>[vector<16xi32>], vector<16xi32>, vector<16xi1>
        %slice3A = vector.extract_strided_slice %cumsum3A_84 {offsets = [15], sizes = [1], strides = [1]} : vector<16xi32> to vector<1xi32>
        %squeeze3A = vector.extract %slice3A[0] : i32 from vector<1xi32>
        %add3A_92 = arith.addi %scan3A_65, %squeeze3A : i32
        scf.yield %add3A_92 : i32
      }
      %scan3A_63 = arith.constant 256 : i32
      "tpu.region"() ({
        %run_scoped3A = tpu.sem_alloc : memref<!tpu.dma_semaphore, #tpu.memory_space<semaphore_mem>>
        %dma_start3A_64 = arith.constant 0 : i32
        %dma_start3A_65 = tpu.memref_slice %arg3[%add3A, %dma_start3A_64] : memref<16x4096xi32, #tpu.memory_space<hbm>> -> memref<1x4096xi32, #tpu.memory_space<hbm>>
        %dma_start3A_66 = tpu.memref_squeeze %dma_start3A_65 : memref<1x4096xi32, #tpu.memory_space<hbm>> -> memref<4096xi32, #tpu.memory_space<hbm>>
        %dma_start3A_67 = arith.constant 0 : i32
        %dma_start3A_68 = tpu.memref_slice %arg3[%add3A, %dma_start3A_67] : memref<16x4096xi32, #tpu.memory_space<hbm>> -> memref<1x4096xi32, #tpu.memory_space<hbm>>
        %dma_start3A_69 = tpu.memref_squeeze %dma_start3A_68 : memref<1x4096xi32, #tpu.memory_space<hbm>> -> memref<4096xi32, #tpu.memory_space<hbm>>
        tpu.enqueue_dma source(%arg5 : memref<4096xi32, #tpu.memory_space<vmem>>) target(%dma_start3A_69 : memref<4096xi32, #tpu.memory_space<hbm>>) target_semaphore(%run_scoped3A : memref<!tpu.dma_semaphore, #tpu.memory_space<semaphore_mem>>)
        %dma_wait3A_70 = arith.constant 0 : i32
        %dma_wait3A_71 = tpu.memref_slice %arg3[%add3A, %dma_wait3A_70] : memref<16x4096xi32, #tpu.memory_space<hbm>> -> memref<1x4096xi32, #tpu.memory_space<hbm>>
        %dma_wait3A_72 = tpu.memref_squeeze %dma_wait3A_71 : memref<1x4096xi32, #tpu.memory_space<hbm>> -> memref<4096xi32, #tpu.memory_space<hbm>>
        %dma_wait3A_73 = arith.constant 0 : i32
        %dma_wait3A_74 = tpu.memref_slice %arg3[%add3A, %dma_wait3A_73] : memref<16x4096xi32, #tpu.memory_space<hbm>> -> memref<1x4096xi32, #tpu.memory_space<hbm>>
        %dma_wait3A_75 = tpu.memref_squeeze %dma_wait3A_74 : memref<1x4096xi32, #tpu.memory_space<hbm>> -> memref<4096xi32, #tpu.memory_space<hbm>>
        tpu.wait_dma2 semaphore(%run_scoped3A : memref<!tpu.dma_semaphore, #tpu.memory_space<semaphore_mem>>) src(%arg5 : memref<4096xi32, #tpu.memory_space<vmem>>) dst(%dma_wait3A_75 : memref<4096xi32, #tpu.memory_space<hbm>>)
        tpu.yield
      }) : () -> ()
    } else {
    }
    return
  }
}

module attributes {stable_mosaic.version = 14 : i64} {
  func.func @_argmax_body(%arg0: i32, %arg1: memref<16384x128xf32, #tpu.memory_space<vmem>>, %arg2: memref<1x1x16384xi32, #tpu.memory_space<vmem>>) attributes {dimension_semantics = [#tpu.dimension_semantics<arbitrary>], iteration_bounds = array<i64: 4>, scalar_prefetch = 0 : i64, scratch_operands = 0 : i64, tpu.core_type = #tpu.core_type<tc>, window_params = [{transform_indices = @transform_0, window_bounds = array<i64: 16384, 128>}, {transform_indices = @transform_1, window_bounds = array<i64: 1, 1, 16384>}]} {
    %get3A = arith.constant 0 : index
    %get3A_0 = arith.constant 0 : index
    %get3A_1 = vector.load %arg1[%get3A, %get3A_0] : memref<16384x128xf32, #tpu.memory_space<vmem>>, vector<16384x128xf32>
    %reduce_max3A = arith.constant dense<0xFF800000> : vector<16384xf32>
    %reduce_max3A_2 = vector.multi_reduction <maximumf>, %get3A_1, %reduce_max3A [1] : vector<16384x128xf32> to vector<16384xf32>
    %broadcast_in_dim3A = vector.shape_cast %reduce_max3A_2 : vector<16384xf32> to vector<16384x1xf32>
    %eq3A = vector.broadcast %broadcast_in_dim3A : vector<16384x1xf32> to vector<16384x128xf32>
    %eq3A_3 = arith.cmpf oeq, %get3A_1, %eq3A : vector<16384x128xf32>
    %convert_element_type3A = arith.extui %eq3A_3 : vector<16384x128xi1> to vector<16384x128xi32>
    %convert_element_type3A_4 = arith.sitofp %convert_element_type3A : vector<16384x128xi32> to vector<16384x128xf32>
    %convert_element_type3A_5 = arith.truncf %convert_element_type3A_4 : vector<16384x128xf32> to vector<16384x128xbf16>
    %iota3A = tpu.iota {dimensions = array<i32: 0>} : vector<128x1xi32>
    %sub3A = arith.constant 191 : i32
    %sub3A_6 = vector.broadcast %sub3A : i32 to vector<128x1xi32>
    %sub3A_7 = arith.subi %sub3A_6, %iota3A : vector<128x1xi32>
    %shift_left3A = arith.constant 23 : i32
    %shift_left3A_8 = vector.broadcast %shift_left3A : i32 to vector<128x1xi32>
    %shift_left3A_9 = arith.shli %sub3A_7, %shift_left3A_8 : vector<128x1xi32>
    %bitcast_convert_type3A = tpu.bitcast %shift_left3A_9 : vector<128x1xi32> -> vector<128x1xf32>
    %convert_element_type3A_10 = arith.truncf %bitcast_convert_type3A : vector<128x1xf32> to vector<128x1xbf16>
    %dot_general3A = arith.constant dense<0.000000e+00> : vector<1x16384xf32>
    %dot_general3A_11 = tpu.matmul %convert_element_type3A_10, %convert_element_type3A_5, %dot_general3A {dimension_numbers = #tpu.dot_dimension_numbers<[0], [1], [1], [0], [0, 1, 1, 0], [], []>, transpose_lhs_hint = false} : vector<128x1xbf16>, vector<16384x128xbf16>, vector<1x16384xf32> -> vector<1x16384xf32>
    %bitcast_convert_type3A_12 = tpu.bitcast %dot_general3A_11 : vector<1x16384xf32> -> vector<1x16384xi32>
    %shift_right_arithmetic3A = arith.constant 23 : i32
    %shift_right_arithmetic3A_13 = vector.broadcast %shift_right_arithmetic3A : i32 to vector<1x16384xi32>
    %shift_right_arithmetic3A_14 = arith.shrsi %bitcast_convert_type3A_12, %shift_right_arithmetic3A_13 : vector<1x16384xi32>
    %sub3A_15 = arith.constant 127 : i32
    %sub3A_16 = vector.broadcast %sub3A_15 : i32 to vector<1x16384xi32>
    %sub3A_17 = arith.subi %shift_right_arithmetic3A_14, %sub3A_16 : vector<1x16384xi32>
    %sub3A_18 = arith.constant 64 : i32
    %sub3A_19 = vector.broadcast %sub3A_18 : i32 to vector<1x16384xi32>
    %sub3A_20 = arith.subi %sub3A_19, %sub3A_17 : vector<1x16384xi32>
    %swap3A = arith.constant 0 : index
    %swap3A_21 = arith.constant 0 : index
    %swap3A_22 = arith.constant 0 : index
    %swap3A_23 = vector.load %arg2[%swap3A, %swap3A_21, %swap3A_22] : memref<1x1x16384xi32, #tpu.memory_space<vmem>>, vector<1x1x16384xi32>
    %swap3A_24 = vector.shape_cast %swap3A_23 : vector<1x1x16384xi32> to vector<1x16384xi32>
    %swap3A_25 = vector.shape_cast %sub3A_20 : vector<1x16384xi32> to vector<1x1x16384xi32>
    tpu.vector_store %arg2[%swap3A, %swap3A_21, %swap3A_22], %swap3A_25 {strides = array<i32>} : memref<1x1x16384xi32, #tpu.memory_space<vmem>>, vector<1x1x16384xi32>,
    return
  }
  func.func @transform_0(%arg0: i32) -> (i32, i32) {
    %c0_i32 = arith.constant 0 : i32
    %c0_i32_0 = arith.constant 0 : i32
    return %arg0, %c0_i32 : i32, i32
  }
  func.func @transform_1(%arg0: i32) -> (i32, i32, i32) {
    %c0_i32 = arith.constant 0 : i32
    %c0_i32_0 = arith.constant 0 : i32
    %c0_i32_1 = arith.constant 0 : i32
    return %arg0, %c0_i32, %c0_i32_0 : i32, i32, i32
  }
}

</mosaic_0001>

<sc_bundles>
// kernel: kernel.4.cloned.1.call-start
scs
__scs_entry_jumppad:
0x0: {  	(pc) =	sbr.rel $0x88, $3  }
0x1: {  	(tag) =	ssettag $0x0;
	lr =	simm.s32 $0x1  }
0x2: {  	[smem:$0x3FA0] =	sst lr;
	_ =	strace $0xD0000000  }
0x3: {  	_ = 	snop  }
0x4: {  	_ = 	snop  }
0x5: {  	_ = 	snop  }
0x6: {  	_ = 	snop  }
0x7: {  	_ = 	snop  }
__scs_overlays_trampoline_lowered:
0x8: {  	[smem:$0x3FAF] =	sst s0  }
0x9: {  	[smem:$0x3FB0] =	sst s1  }
0xa: {  	[smem:$0x3FB1] =	sst s2  }
0xb: {  	[smem:$0x3FB2] =	sst s3  }
0xc: {  	[smem:$0x3FB3] =	sst s4  }
0xd: {  	[smem:$0x3FB4] =	sst s5  }
0xe: {  	[smem:$0x3FB5] =	sst s6  }
0xf: {  	[smem:$0x3FB6] =	sst s7  }
0x10: {  	[smem:$0x3FB7] =	sst s8  }
0x11: {  	[smem:$0x3FB8] =	sst s9;
	s0 =	simm.s32 @!p0 $0x0  }
0x12: {  	s1 =	sld [smem:$0x3F9E];
	s0 =	simm.s32 @p0 $0x1  }
0x13: {  	[smem:$0x3FB9] =	sst s0;
	s0 =	simm.s32 @!p1 $0x0  }
0x14: {  	s2 =	sld [smem:$0x3F9D];
	s0 =	simm.s32 @p1 $0x1  }
0x15: {  	[smem:$0x3FBA] =	sst s0;
	s0 =	simm.s32 @!p2 $0x0  }
0x16: {  	s3 =	sld [smem:$0x3FDB];
	s0 =	simm.s32 @p2 $0x1  }
0x17: {  	s4 =	simm.s32 $0x1BF5;
	[smem:$0x3FBC] =	sst s0  }
0x18: {  	s0 =	sld [smem:$0x3F9F];
	_ =	swait.ge [sflag:s4], $0x0  }
0x19: {  	s7 =	sld [smem:$0x3FA0]  }
0x1a: {  	s8 =	sadd.s32 $0xFFFFE003, lr  }
0x1b: {  	s9 =	sadd.s32 $0xFFFFFEF7, lr;
	s5 =	simm.s32 $0xFFFFFFFF;
	p2 =	slt.u32 s8, $0xFFFFF086  }
0x1c: {  	p1 =	slt.u32 s9, $0xF7A;
	s5 =	simm.s32 @!p2 $0x0  }
0x1d: {  	s5 =	simm.s32 @p1 $0x1;
	p0 =	seq.s32 s7, s2  }
0x1e: {  	s7 =	smul.u32 @!p0 $0xF7A, s2;
	p2 =	seq.s32 @!p0 s5, $0x0  }
0x1f: {  	s9 =	smul.u32 $0xF7A, s1;
	s8 =	simm.s32 @!p0 $0x1BF5;
	p2 =	por !p2, p0  }
0x20: {  	[sflag:s8] =	ssyncset.s32 @!p0 $0xFFFFF086;
	s6 =	sadd.s32 @!p0 s3, s7;
	s7 =	simm.s32 @!p0 $0x108  }
0x21: {  	s3 =	sadd.s32 s3, s9;
	s6 =	sadd.s32 @!p0 $0x88, s6;
	s7 =	simm.s32 @p2 $0x1082  }
0x22: {  	[simem:s7], [sflag:s8] =	dma.local @!p0 [hbm:s6], $0xF7A  }
0x23: {  	s9 =	sor.u32 $0xD0000000, s2;
	s6 =	simm.s32 $0x108;
	_ =	swait.ge @!p0 [sflag:s8], $0x0  }
0x24: {  	s3 =	sadd.s32 $0x88, s3;
	s6 =	simm.s32 @!p1 $0x1082;
	[sflag:s4] =	ssyncset.s32 $0xFFFFF086  }
0x25: {  	[simem:s6], [sflag:s4] =	dma.local [hbm:s3], $0xF7A  }
0x26: {  	[smem:$0x3FA0] =	sst s1;
	(tag) =	ssettag s2;
	_ =	strace s9  }
0x27: {  	s1 =	sld [smem:$0x3FB0]  }
0x28: {  	s2 =	sld [smem:$0x3FB1]  }
0x29: {  	s4 =	sld [smem:$0x3FB3]  }
0x2a: {  	p0 =	seq.s32 s5, $0x0;
	s5 =	sld [smem:$0x3FB4]  }
0x2b: {  	s6 =	sld [smem:$0x3FB5]  }
0x2c: {  	s7 =	sld [smem:$0x3FB6]  }
0x2d: {  	s3 =	simm.s32 $0x108;
	s8 =	sld [smem:$0x3FB7]  }
0x2e: {  	s3 =	simm.s32 @!p0 $0x1082;
	s9 =	sld [smem:$0x3FB8]  }
0x2f: {  	lr =	sadd.s32 s0, s3;
	s0 =	sld [smem:$0x3FAF]  }
0x30: {  	s3 =	sld [smem:$0x3FB2]  }
0x31: {  	[smem:$0x3FBB] =	sst s10  }
0x32: {  	s10 =	sld [smem:$0x3FB9];
	_ =	sdelay $0x3  }
0x33: {  	p0 =	seq.s32 s10, $0x1;
	s10 =	sld [smem:$0x3FBB];
	_ =	sdelay $0x3  }
0x34: {  	[smem:$0x3FBB] =	sst s10  }
0x35: {  	s10 =	sld [smem:$0x3FBA];
	_ =	sdelay $0x3  }
0x36: {  	p1 =	seq.s32 s10, $0x1;
	s10 =	sld [smem:$0x3FBB];
	_ =	sdelay $0x3  }
0x37: {  	[smem:$0x3FBB] =	sst s10  }
0x38: {  	s10 =	sld [smem:$0x3FBC]  }
0x39: {  	_ = 	snop;
	(pc) =	sbr.ind lr, $3  }
0x3a: {  	_ = 	snop  }
0x3b: {  	_ = 	snop  }
0x3c: {  	p2 =	seq.s32 s10, $0x1;
	s10 =	sld [smem:$0x3FBB]  }
0x3d: {  	_ =	shalt  }
0x3e: {  	_ =	shalt  }
0x3f: {  	_ =	shalt  }
0x40: {  	_ =	shalt  }
0x41: {  	_ =	shalt  }
0x42: {  	_ =	shalt  }
0x43: {  	_ =	shalt  }
0x44: {  	_ =	shalt  }
0x45: {  	_ =	shalt  }
0x46: {  	_ =	shalt  }
0x47: {  	_ =	shalt  }
0x48: {  	_ =	shalt  }
0x49: {  	_ =	shalt  }
0x4a: {  	_ =	shalt  }
0x4b: {  	_ =	shalt  }
0x4c: {  	_ =	shalt  }
0x4d: {  	_ =	shalt  }
0x4e: {  	_ =	shalt  }
0x4f: {  	_ =	shalt  }
0x50: {  	_ =	shalt  }
0x51: {  	_ =	shalt  }
0x52: {  	_ =	shalt  }
0x53: {  	_ =	shalt  }
0x54: {  	_ =	shalt  }
0x55: {  	_ =	shalt  }
0x56: {  	_ =	shalt  }
0x57: {  	_ =	shalt  }
0x58: {  	_ =	shalt  }
0x59: {  	_ =	shalt  }
0x5a: {  	_ =	shalt  }
0x5b: {  	_ =	shalt  }
0x5c: {  	_ =	shalt  }
0x5d: {  	_ =	shalt  }
0x5e: {  	_ =	shalt  }
0x5f: {  	_ =	shalt  }
0x60: {  	_ =	shalt  }
0x61: {  	_ =	shalt  }
0x62: {  	_ =	shalt  }
0x63: {  	_ =	shalt  }
0x64: {  	_ =	shalt  }
0x65: {  	_ =	shalt  }
0x66: {  	_ =	shalt  }
0x67: {  	_ =	shalt  }
0x68: {  	_ =	shalt  }
0x69: {  	_ =	shalt  }
0x6a: {  	_ =	shalt  }
0x6b: {  	_ =	shalt  }
0x6c: {  	_ =	shalt  }
0x6d: {  	_ =	shalt  }
0x6e: {  	_ =	shalt  }
0x6f: {  	_ =	shalt  }
0x70: {  	_ =	shalt  }
0x71: {  	_ =	shalt  }
0x72: {  	_ =	shalt  }
0x73: {  	_ =	shalt  }
0x74: {  	_ =	shalt  }
0x75: {  	_ =	shalt  }
0x76: {  	_ =	shalt  }
0x77: {  	_ =	shalt  }
0x78: {  	_ =	shalt  }
0x79: {  	_ =	shalt  }
0x7a: {  	_ =	shalt  }
0x7b: {  	_ =	shalt  }
0x7c: {  	_ =	shalt  }
0x7d: {  	_ =	shalt  }
0x7e: {  	_ =	shalt  }
0x7f: {  	_ =	shalt  }
0x80: {  	_ =	shalt  }
0x81: {  	_ =	shalt  }
0x82: {  	_ =	shalt  }
0x83: {  	_ =	shalt  }
0x84: {  	_ =	shalt  }
0x85: {  	_ =	shalt  }
0x86: {  	_ =	shalt  }
0x87: {  	_ =	shalt  }
.Lfunc_end0:
.L_simem_size_0:
called_computation_lowered:
.L_overlay_start_0:
0x88: {  	s0 =	sld [smem:$0x3FD9]  }
0x89: {  	s1 =	sld [smem:$0x3FFE];
	_ =	sdelay $0x3  }
0x8a: {  	s0 =	sadd.s32 s1, s0  }
0x8b: {  	[smem:$0x3FC7] =	sst s0  }
0x8c: {  	_ = 	snop  }
0x8d: {  	s0 =	sld [smem:$0x3FD0];
	(tm) =	ssettm $0x1  }
0x8e: {  	s16 =	sld [smem:$0x3FFB];
	_ =	sdelay $0x3  }
0x8f: {  	_ =	strace s16  }
0x90: {  	s1 =	sld [smem:$0x3FFC];
	_ =	sdelay $0x3  }
0x91: {  	_ =	strace s1  }
0x92: {  	s1 =	sld [smem:$0x3FFD];
	_ =	sdelay $0x3  }
0x93: {  	_ =	strace s1  }
0x94: {  	_ =	strace $0x8FFFFFFF  }
0x95: {  	s17 =	sld [smem:$0x3FDB];
	_ =	sdelay $0x1  }
0x96: {  	s2 =	simm.s32 $_scs_section_size  }
0x97: {  	s3 =	simm.s32 $_size__tile_overlayer_lowered;
	s4 =	simm.s32 $_tile_overlayer_lowered  }
0x98: {  	s20 =	simm.s32 $0x1BFF;
	s19 =	sshll.u32 s4, $0x1;
	s1 =	sadd.s32 s2, s17  }
0x99: {  	s5 =	simm.s32 $0x0;
	s18 =	sshll.u32 s3, $0x1;
	s3 =	sadd.s32 s19, s1  }
0x9a: {  	[timem:s5], [sflag:s20] =	dma.local [hbm:s3], s18  }
0x9b: {  	_ =	swait.ge [sflag:s20], s18  }
0x9c: {  	s2 =	ssub.s32 $0x0, s18;
	[sflag:s20] =	ssyncset.done $0x0  }
0x9d: {  	[sflag:s20] =	ssyncadd.s32 s2;
	_ =	sdelay $0x1  }
0x9e: {  	s21 =	simm.s32 $0x1B8B  }
0x9f: {  	_ =	swait.ge [sflag:s21], $0x1  }
0xa0: {  	[sflag:s21] =	ssyncset.done $0x0  }
0xa1: {  	s23 =	simm.s32 $0x1B8E;
	s22 =	sld [smem:$0x3FFE];
	[sflag:s21] =	ssyncadd.s32 $0xFFFFFFFF  }
0xa2: {  	s24 =	simm.s32 $execute0_lowered;
	[smem:$0x3FD2] =	sst s23  }
0xa3: {  	s3 =	sshll.u32 s24, $0x1;
	_ =	strace $0x80000046;
	[dreg:$0x1] =	wrdreg $0xFFFFFFFF  }
0xa4: {  	s25 =	simm.s32 $_size_execute0_lowered;
	s1 =	sadd.s32 s1, s3;
	[dreg:$0x0] =	wrdreg $0x0  }
0xa5: {  	s3 =	sshll.u32 s25, $0x1;
	[dreg:$0x2] =	wrdreg s1  }
0xa6: {  	[dreg:$0x3] =	wrdreg s3  }
0xa7: {  	[dreg:$0x4] =	wrdreg $0xC0  }
0xa8: {  	_ =	task [dreg:s5], $0x5FFFF  }
0xa9: {  	[dreg:$0x1] =	wrdreg $0xFFFFFFFF  }
0xaa: {  	[dreg:$0x0] =	wrdreg $0x60  }
0xab: {  	[dreg:$0x2] =	wrdreg s22  }
0xac: {  	[dreg:$0x3] =	wrdreg s0  }
0xad: {  	[dreg:$0x4] =	wrdreg $0x9  }
0xae: {  	_ =	task.clear_ibuf [dreg:s5], $0x5FFFF;
	_ =	strace $0x90000046  }
0xaf: {  	s26 =	simm.s32 $0x9;
	_ =	strace $0x80000048  }
0xb0: {  	_ =	swait.ge [sflag:s26], $0x1  }
0xb1: {  	[sflag:s26] =	ssyncadd.s32 $0xFFFFFFFF  }
0xb2: {  	_ =	strace $0x90000048  }
0xb3: {  	_ =	sfence  }
0xb4: {  	s28 =	sld [smem:$0x0];
	_ =	sdelay $0x1  }
0xb5: {  	s29 =	srdreg.scid  }
0xb6: {  	s30 =	sshll.u32 s29, $0xD;
	s31 =	sshrl.u32 s29, $0x2  }
0xb7: {  	s2 =	sand.u32 $0x4000, s30;
	s1 =	sand.u32 $0x1, s29;
	s0 =	sadd.s32 s31, s28  }
0xb8: {  	s1 =	sor.u32 s2, s1;
	s0 =	sshll.u32 s0, $0x11  }
0xb9: {  	s0 =	sor.u32 s0, s1  }
0xba: {  	s0 =	sadd.s32 $0x8F2B, s0  }
0xbb: {  	[sflag:s0] =	ssyncadd.remote.s32 $0x1  }
0xbc: {  	_ =	sfence.sel $0xFFFF  }
0xbd: {  	[dreg:$0x0] =	wrdreg $0xFFFFFFFF;
	(pc) =	sbr.abs _section_cstart, $3  }
0xbe: {  	[dreg:$0x1] =	wrdreg $0xFFFFFFFF  }
0xbf: {  	_ =	task.clear_ibuf [dreg:s5], $0x2FFFF;
	_ =	strace $0x9FFFFFFF  }
0xc0: {  	(tm) =	ssettm $0x7FFFFFFF  }
0xc1: {  	_ =	shalt  }
tec
execute0_lowered:
.L_overlay_start_1:
0x0: {  	(tag) =	ssettag $0x1  }
0x1: {  	s4 =	rddreg [dreg:$0x0]  }
0x2: {  	s2 =	rddreg [dreg:$0x1];
	s1 =	stileid.u32  }
0x3: {  	s0 =	rddreg [dreg:$0x2];
	s5 =	simm.s32 $0x0;
	s3 =	sshll.u32 s1, $0x9  }
0x4: {  	v0 =	vimm.s32 $0xFFFFFFFF;
	[smem:$0x7FF] =	sst s5;
	s4 =	sadd.s32 s3, s4  }
0x5: {  	s6 =	simm.s32 $0x8;
	_ =	strace $0x80000047;
	[tilespmem:$0x0] =	vst v0;
	s4 =	sadd.s32 $0x600, s4  }
0x6: {  	[tilespmem:s6], [sflag:$0x1] =	stream.linear.gather [hbm4b:s4+s5], $0x1000, $0x38;
	[tilespmem:$0x2080] =	vst v63  }
0x7: {  	s4 =	simm.s32 $0x40;
	s5 =	simm.s32 $0x0  }
.LBB2_1:
0x8: {  	p0 =	sne.s32 s4, $0x3FC0;
	[tilespmem:s5+$0x1080] =	vst v0;
	s5 =	smov.u32 s4;
	s4 =	sadd.s32 $0x40, s4  }
.Ltmp0:
0x9: {  	(pc) =	sbr.rel @p0 .LBB2_1-.Ltmp0, $2  }
0xa: {  	_ =	sdelay $0x2  }
0xb: {  	s5 =	sshra.s32 s5, $0x2  }
0xc: {  	[tilespmem:s5+$0x1080] =	vst v0;
	s4 =	simm.s32 $0x1  }
0xd: {  	_ =	swait.ge [sflag:s4], $0x1000  }
0xe: {  	[sflag:s4] =	ssyncset.done $0x0  }
0xf: {  	s30 =	simm.s32 $0x0;
	[sflag:s4] =	ssyncadd.s32 $0xFFFFF000  }
0x10: {  	v0 =	vld [tilespmem:s30+$0x7]  }
0x11: {  	v1 =	vld [tilespmem:s30+$0x8];
	_ =	sdelay $0x4  }
0x12: {  	vm0 =	vne.s32 v1, v0;
	vm1 =	vne.s32 v1, $0x7F  }
0x13: {  	v0 =	vimm.s32 $0x0;
	vm0 =	vmand vm1, vm0  }
0x14: {  	v2 =	vsel vm0, $0x1, v0  }
0x15: {  	(xrf0) =	vadd.scan.msk.s32 $0xffff, v2;
	_ =	sdelay $0x5  }
0x16: {  	s31 =	simm.s32 $0xFFFFFFFF;
	v2, _, _ =	vpop (xrf0)  }
0x17: {  	v3 =	vadd.s32 s31, v2;
	(v2sf) =	vpush v2, $0xF;
	_ =	sdelay $0x3  }
0x18: {  	s4 =	simm.s32 $0x1080  }
0x19: {  	s7 =	simm.s32 $0x10;
	[tilespmem:v3+s4+$0x0] =	vst.idx.msk vm0, v1  }
0x1a: {  	s5 =	simm.s32 $0x0;
	s6 =	simm.s32 $0x80;
	v1 =	vld [tilespmem:s7+$0x7]  }
.LBB2_3:
0x1b: {  	p0 =	sne.s32 s6, $0x3FC0;
	v2 =	vld [tilespmem:s7+$0x8];
	_ =	sdelay $0x4  }
0x1c: {  	vm0 =	vne.s32 v2, v1;
	vm1 =	vne.s32 v2, $0x7F  }
0x1d: {  	vm0 =	vmand vm1, vm0  }
0x1e: {  	v1 =	vsel vm0, $0x1, v0  }
0x1f: {  	(xrf0) =	vadd.scan.msk.s32 $0xffff, v1;
	s7 =	spop (v2sf)  }
0x20: {  	s5 =	sadd.s32 s5, s7  }
0x21: {  	s7 =	sadd.s32 $0xFFFFFFFF, s5;
	_ =	sdelay $0x3  }
0x22: {  	v1, _, _ =	vpop (xrf0)  }
0x23: {  	v3 =	vadd.s32 s7, v1;
	(v2sf) =	vpush v1, $0xF;
	_ =	sdelay $0x1  }
.Ltmp1:
0x24: {  	(pc) =	sbr.rel @p0 .LBB2_3-.Ltmp1, $3  }
0x25: {  	_ =	sdelay $0x1  }
0x26: {  	s7 =	sshra.s32 s6, $0x2;
	[tilespmem:v3+s4+$0x0] =	vst.idx.msk vm0, v2  }
0x27: {  	s6 =	sadd.s32 $0x40, s6;
	v1 =	vld [tilespmem:s7+$0x7]  }
0x28: {  	v2 =	vld [tilespmem:s7+$0x8];
	_ =	sdelay $0x4  }
0x29: {  	vm0 =	vne.s32 v2, v1;
	vm1 =	vne.s32 v2, $0x7F  }
0x2a: {  	vm0 =	vmand vm1, vm0  }
0x2b: {  	v0 =	vsel vm0, $0x1, v0  }
0x2c: {  	(xrf0) =	vadd.scan.msk.s32 $0xffff, v0;
	_ =	sdelay $0x5  }
0x2d: {  	v0, _, _ =	vpop (xrf0)  }
0x2e: {  	(v2sf) =	vpush v0, $0xF;
	_ =	sdelay $0x4  }
0x2f: {  	s6 =	spop (v2sf)  }
0x30: {  	s5 =	sadd.s32 s5, s6  }
0x31: {  	s5 =	sadd.s32 $0xFFFFFFFF, s5  }
0x32: {  	v0 =	vadd.s32 s5, v0;
	_ =	sdelay $0x1  }
0x33: {  	s26 =	sshll.u32 s1, $0x4  }
0x34: {  	s5 =	sand.u32 $0x70, s26  }
0x35: {  	s3 =	sand.u32 $0x1000, s3;
	s28 =	simm.s32 $0x80;
	s2 =	sadd.s32 s2, s5  }
0x36: {  	s29 =	simm.s32 $0x400;
	s30 =	simm.s32 $0x1080;
	s2 =	sadd.s32 s3, s2;
	[tilespmem:v0+s4+$0x0] =	vst.idx.msk vm0, v2  }
0x37: {  	[hbm4b:s2+s28] =	stream.strided.scatter [tilespmem:s30], [sflag:$0x2], $0x1000, s29, s28, $0x38;
	[tilespmem:$0x2080] =	vst v63  }
0x38: {  	s2 =	simm.s32 $0x2;
	s31 =	spop (v2sf)  }
0x39: {  	_ =	swait.ge [sflag:s2], $0x1000  }
0x3a: {  	[sflag:s2] =	ssyncset.done $0x0  }
0x3b: {  	[sflag:s2] =	ssyncadd.s32 $0xFFFFF000  }
0x3c: {  	_ =	sfence.sel $0x180000  }
0x3d: {  	[bflag:$0x0] =	sbarrier.arrive $0xFFFF  }
0x3e: {  	p0 =	sne.s32 s1, $0x0;
	_ =	strace $0x90000047  }
0x3f: {  	s0 =	sadd.s32 @!p0 $0x100000, s0;
	[bflag:$0x2] =	sbarrier.arrive $0xFFFF  }
0x40: {  	[sflag:s0] =	ssyncadd.tile.s32 @!p0 $0x1;
	_ =	shalt  }
.Lfunc_end2:
_tile_overlayer_lowered:
.L_overlay_start_2:
0x41: {  	(tag) =	ssettag $0x2  }
0x42: {  	s0 =	rddreg [dreg:$0x0];
	s2 =	stileid.u32  }
0x43: {  	s1 =	rddreg [dreg:$0x1];
	p0 =	sne.s32 s2, $0x0  }
0x44: {  	s3 =	rddreg [dreg:$0x2];
	[bflag:$0x3] =	sbarrier.arrive $0xFFFF;
	s2 =	simm.s32 @!p0 $0x1C02  }
0x45: {  	[timem:s3], [sflag:s2] =	dma.local @!p0 [hbm:s0], s1  }
0x46: {  	s0 =	simm.s32 @!p0 $0x2  }
0x47: {  	_ =	swait.ge @!p0 [sflag:s0], s1  }
0x48: {  	s1 =	ssub.s32 @!p0 $0x0, s1;
	[sflag:s0] =	ssyncset.done @!p0 $0x0  }
0x49: {  	[sflag:s0] =	ssyncadd.s32 @!p0 s1  }
0x4a: {  	[bflag:$0x3] =	sbarrier.arrive $0xFFFF  }
0x4b: {  	_ =	shalt  }

</sc_bundles>
